<compile_context>
chip_gen: v7x
topology: tpu7x:2x2x1
jax: 0.10.2.dev20260603
libtpu: 0.0.44.dev20260713+nightly
codegen_flags: <defaults>
</compile_context>

<pallas_src>
import jax
import jax.numpy as jnp
from jax.experimental import pallas as pl
from jax.experimental.pallas import tpu as pltpu

try:
    from jax.experimental.pallas import tpu_sc as plsc
except ImportError:
    from jax._src.pallas.mosaic import sc_core as plsc

_N_TOKENS = 32768
_K = 1024
_D = 64
_EPS = 1e-8
_BLOCK = 2048
_N_SUBCORES = 32
_TOK_PER_SUB = _N_TOKENS // _N_SUBCORES


def _vq_tc_kernel(x_ref, c_ref, rand_ref, out_ref, idx_ref, c2_ref, cneg_ref):
    i = pl.program_id(0)
    x = x_ref[...]
    rand = rand_ref[...]

    @pl.when(i == 0)
    def _init():
        c = c_ref[...]
        c2_ref[...] = jax.lax.dot_general(
            jnp.ones((1, _D), jnp.float32), c * c, (((1,), (1,)), ((), ())),
            preferred_element_type=jnp.float32,
        )
        cneg_ref[...] = (c * -2.0).astype(jnp.bfloat16)

    xc = jax.lax.dot_general(
        x.astype(jnp.bfloat16), cneg_ref[...], (((1,), (1,)), ((), ())),
        preferred_element_type=jnp.float32,
    )
    d = xc + c2_ref[...]
    m = jnp.min(d, axis=1, keepdims=True)
    iota = jax.lax.broadcasted_iota(jnp.int32, (_BLOCK, _K), 1)
    idx = jnp.min(jnp.where(d == m, iota, _K), axis=1, keepdims=True)
    idx_ref[...] = jnp.reshape(idx, (1, 1, _BLOCK))

    x2 = jnp.sum(x * x, axis=1, keepdims=True)
    n2 = jnp.sum(rand * rand, axis=1, keepdims=True)
    r = jnp.sqrt(jnp.maximum(x2 + m, 0.0))
    scale = r * jax.lax.rsqrt(jnp.maximum(n2, 1e-30))
    out_ref[...] = x + scale * rand


def _bincount_sc_kernel(idx_hbm, hist_hbm):
    core = jax.lax.axis_index("c")
    sub = jax.lax.axis_index("s")
    tec = core * 16 + sub

    def body(idx_vmem, hist_vmem, sem, osem):
        base = tec * _TOK_PER_SUB
        cp = pltpu.make_async_copy(
            idx_hbm.at[pl.ds(base, _TOK_PER_SUB)], idx_vmem, sem)
        cp.start()
        cp.wait()
        zeros16 = jnp.zeros((16,), jnp.float32)

        def zstep(t, carry):
            hist_vmem[pl.ds(t * 16, 16)] = zeros16
            return carry

        jax.lax.fori_loop(0, _K // 16, zstep, 0)
        ones16 = jnp.ones((16,), jnp.float32)

        def step(t, _):
            iv = idx_vmem[pl.ds(t * 16, 16)]
            plsc.addupdate_scatter(hist_vmem, [iv], ones16)
            return _

        jax.lax.fori_loop(0, _TOK_PER_SUB // 16, step, 0)
        ocp = pltpu.make_async_copy(hist_vmem, hist_hbm.at[tec], osem)
        ocp.start()
        ocp.wait()

    pl.run_scoped(
        body,
        idx_vmem=pltpu.VMEM((_TOK_PER_SUB,), jnp.int32),
        hist_vmem=pltpu.VMEM((_K,), jnp.float32),
        sem=pltpu.SemaphoreType.DMA,
        osem=pltpu.SemaphoreType.DMA,
    )


def _stats_tc_kernel(hist_ref, stats_ref):
    counts = jnp.sum(hist_ref[...], axis=0, keepdims=True)
    p = counts * (1.0 / _N_TOKENS)
    perp = jnp.exp(-jnp.sum(p * jnp.log(p + _EPS)))
    uniq = jnp.sum((counts > 0.0).astype(jnp.float32))
    lane = jax.lax.broadcasted_iota(jnp.int32, (1, 128), 1)
    stats_ref[...] = jnp.where(lane == 0, perp, jnp.where(lane == 1, uniq, 0.0))


@jax.jit
def kernel(input_data, codebooks, rand):
    grid = _N_TOKENS // _BLOCK
    out, idx3 = pl.pallas_call(
        _vq_tc_kernel,
        grid=(grid,),
        in_specs=[
            pl.BlockSpec((_BLOCK, _D), lambda i: (i, 0)),
            pl.BlockSpec((_K, _D), lambda i: (0, 0)),
            pl.BlockSpec((_BLOCK, _D), lambda i: (i, 0)),
        ],
        out_specs=[
            pl.BlockSpec((_BLOCK, _D), lambda i: (i, 0)),
            pl.BlockSpec((1, 1, _BLOCK), lambda i: (i, 0, 0)),
        ],
        out_shape=[
            jax.ShapeDtypeStruct((_N_TOKENS, _D), jnp.float32),
            jax.ShapeDtypeStruct((grid, 1, _BLOCK), jnp.int32),
        ],
        scratch_shapes=[
            pltpu.VMEM((1, _K), jnp.float32),
            pltpu.VMEM((_K, _D), jnp.bfloat16),
        ],
    )(input_data, codebooks, rand)
    idx_flat = jnp.reshape(idx3, (_N_TOKENS,))

    mesh = plsc.VectorSubcoreMesh(
        core_axis_name="c", subcore_axis_name="s", num_cores=2, num_subcores=16
    )
    hist = pl.kernel(
        _bincount_sc_kernel,
        out_type=jax.ShapeDtypeStruct((_N_SUBCORES, _K), jnp.float32),
        mesh=mesh,
        compiler_params=pltpu.CompilerParams(needs_layout_passes=False),
    )(idx_flat)

    stats = pl.pallas_call(
        _stats_tc_kernel,
        out_shape=jax.ShapeDtypeStruct((1, 128), jnp.float32),
    )(hist)
    perplexity = stats[0, 0]
    num_unique = stats[0, 1].astype(jnp.int32)
    return (out, perplexity, num_unique)

# --- scband reference (transcript-rebuilt; emitter-appended) ---
"""Pipeline reference for scband-nsvq-36567351558900 (READ-ONLY COPY).

The authoritative reference and input builder live on the scoring server;
editing this copy changes nothing except your own understanding.
"""

import jax, jax.numpy as jnp
import numpy as np

NUM_EMBEDDINGS = 1024
EMBEDDING_DIM = 64
N_TOKENS = 32768
EPS = 1e-08


def setup_inputs(seed: int = 0) -> dict:
    key = jax.random.key(seed)
    k1, k2, k3 = jax.random.split(key, 3)
    input_data = jax.random.normal(k1, (N_TOKENS, EMBEDDING_DIM), dtype=jnp.float32)
    codebooks = jax.random.normal(k2, (NUM_EMBEDDINGS, EMBEDDING_DIM), dtype=jnp.float32)
    # noise sampled inside torch forward; materialized here deterministically
    rand = jax.random.normal(k3, (N_TOKENS, EMBEDDING_DIM), dtype=jnp.float32)
    return {"input_data": input_data, "codebooks": codebooks, "rand": rand}


def reference(input_data, codebooks, rand):
    # squared L2 distances: ||x||^2 - 2 x C^T + ||c||^2
    d2 = (jnp.sum(input_data ** 2, axis=1, keepdims=True)
          - 2.0 * (input_data @ codebooks.T)
          + jnp.sum(codebooks ** 2, axis=1)[None, :])
    min_idx = jnp.argmin(d2, axis=1)
    hard_q = jnp.take(codebooks, min_idx, axis=0)
    r_norm = jnp.linalg.norm(input_data - hard_q, axis=1, keepdims=True)
    n_norm = jnp.linalg.norm(rand, axis=1, keepdims=True)
    vq_err = r_norm / (n_norm + EPS) * rand
    quantized_input = input_data + vq_err
    # usage statistics (no_grad path in torch)
    counts = jnp.bincount(min_idx, length=NUM_EMBEDDINGS).astype(jnp.float32)
    total = jnp.maximum(counts.sum(), 1.0)
    avg_probs = counts / total
    perplexity = jnp.exp(-jnp.sum(avg_probs * jnp.log(avg_probs + EPS)))
    num_unique_indices = jnp.sum(counts > 0).astype(jnp.int32)
    return (quantized_input, perplexity, num_unique_indices)

if __name__ == "__main__":
    import jax
    _d = setup_inputs()
    print(jax.jit(kernel)(*tuple(_d.values())))

</pallas_src>

<mosaic_0001>
#map = affine_map<(d0, d1) -> (0)>
#map1 = affine_map<(d0, d1) -> (0, 0)>
module attributes {stable_mosaic.version = 14 : i64} {
  func.func @_bincount_sc_kernel(%arg0: i32, %arg1: i32, %arg2: memref<32768xi32, #tpu.memory_space<hbm>>, %arg3: memref<32x1024xf32, #tpu.memory_space<hbm>>) attributes {dimension_semantics = [#tpu.dimension_semantics<core_parallel>, #tpu.dimension_semantics<subcore_parallel>], iteration_bounds = array<i64: 2, 16>, scalar_prefetch = 0 : i64, scratch_operands = 0 : i64, tpu.core_type = #tpu.core_type<sc_vector_subcore>, window_params = [{transform_indices = #map}, {transform_indices = #map1}]} {
    %mul3A = arith.constant 16 : i32
    %mul3A_0 = arith.muli %arg0, %mul3A : i32
    %add3A = arith.addi %mul3A_0, %arg1 : i32
    "tpu.region"() ({
      %run_scoped3A = memref.alloca() : memref<1024xf32, #tpu.memory_space<vmem>>
      %run_scoped3A_1 = memref.alloca() : memref<1024xi32, #tpu.memory_space<vmem>>
      %run_scoped3A_2 = tpu.sem_alloc : memref<!tpu.dma_semaphore, #tpu.memory_space<semaphore_mem>>
      %run_scoped3A_3 = tpu.sem_alloc : memref<!tpu.dma_semaphore, #tpu.memory_space<semaphore_mem>>
      %mul3A_4 = arith.constant 1024 : i32
      %mul3A_5 = arith.muli %add3A, %mul3A_4 : i32
      %dma_start3A = tpu.memref_slice %arg2[%mul3A_5] : memref<32768xi32, #tpu.memory_space<hbm>> -> memref<1024xi32, #tpu.memory_space<hbm>>
      %dma_start3A_6 = tpu.memref_slice %arg2[%mul3A_5] : memref<32768xi32, #tpu.memory_space<hbm>> -> memref<1024xi32, #tpu.memory_space<hbm>>
      tpu.enqueue_dma source(%dma_start3A_6 : memref<1024xi32, #tpu.memory_space<hbm>>) target(%run_scoped3A_1 : memref<1024xi32, #tpu.memory_space<vmem>>) target_semaphore(%run_scoped3A_3 : memref<!tpu.dma_semaphore, #tpu.memory_space<semaphore_mem>>)
      %dma_wait3A = tpu.memref_slice %arg2[%mul3A_5] : memref<32768xi32, #tpu.memory_space<hbm>> -> memref<1024xi32, #tpu.memory_space<hbm>>
      %dma_wait3A_7 = tpu.memref_slice %arg2[%mul3A_5] : memref<32768xi32, #tpu.memory_space<hbm>> -> memref<1024xi32, #tpu.memory_space<hbm>>
      tpu.wait_dma2 semaphore(%run_scoped3A_3 : memref<!tpu.dma_semaphore, #tpu.memory_space<semaphore_mem>>) src(%dma_wait3A_7 : memref<1024xi32, #tpu.memory_space<hbm>>) dst(%run_scoped3A_1 : memref<1024xi32, #tpu.memory_space<vmem>>)
      %broadcast_in_dim3A = arith.constant 0.000000e+00 : f32
      %broadcast_in_dim3A_8 = vector.broadcast %broadcast_in_dim3A : f32 to vector<16xf32>
      %scan3A = arith.constant 0 : i32
      %scan3A_9 = arith.constant 0 : i32
      %scan3A_10 = arith.constant 64 : i32
      %scan3A_11 = arith.addi %scan3A_9, %scan3A_10 : i32
      %scan3A_12 = arith.constant 1 : i32
      scf.for %scan3A_34 = %scan3A_9 to %scan3A_11 step %scan3A_12  : i32 {
        %mul3A_35 = arith.constant 16 : i32
        %mul3A_36 = arith.muli %scan3A_34, %mul3A_35 : i32
        %swap3A = arith.index_cast %mul3A_36 : i32 to index
        %swap3A_37 = tpu.vector_load %run_scoped3A[%swap3A] {strides = array<i32>} : memref<1024xf32, #tpu.memory_space<vmem>>, vector<16xf32>,
        tpu.vector_store %run_scoped3A[%swap3A], %broadcast_in_dim3A_8 {strides = array<i32>} : memref<1024xf32, #tpu.memory_space<vmem>>, vector<16xf32>,
      }
      %scan3A_13 = arith.constant 64 : i32
      %broadcast_in_dim3A_14 = arith.constant 1.000000e+00 : f32
      %broadcast_in_dim3A_15 = vector.broadcast %broadcast_in_dim3A_14 : f32 to vector<16xf32>
      %scan3A_16 = arith.constant 0 : i32
      %scan3A_17 = arith.constant 0 : i32
      %scan3A_18 = arith.constant 64 : i32
      %scan3A_19 = arith.addi %scan3A_17, %scan3A_18 : i32
      %scan3A_20 = arith.constant 1 : i32
      scf.for %scan3A_34 = %scan3A_17 to %scan3A_19 step %scan3A_20  : i32 {
        %mul3A_35 = arith.constant 16 : i32
        %mul3A_36 = arith.muli %scan3A_34, %mul3A_35 : i32
        %get3A = arith.index_cast %mul3A_36 : i32 to index
        %get3A_37 = tpu.vector_load %run_scoped3A_1[%get3A] {strides = array<i32>} : memref<1024xi32, #tpu.memory_space<vmem>>, vector<16xi32>,
        tpu.vector_store_idx %run_scoped3A[%get3A_37], %broadcast_in_dim3A_15 {add = true} : memref<1024xf32, #tpu.memory_space<vmem>>[vector<16xi32>], vector<16xf32>,
      }
      %scan3A_21 = arith.constant 64 : i32
      %dma_start3A_22 = arith.constant 0 : i32
      %dma_start3A_23 = tpu.memref_slice %arg3[%add3A, %dma_start3A_22] : memref<32x1024xf32, #tpu.memory_space<hbm>> -> memref<1x1024xf32, #tpu.memory_space<hbm>>
      %dma_start3A_24 = tpu.memref_squeeze %dma_start3A_23 : memref<1x1024xf32, #tpu.memory_space<hbm>> -> memref<1024xf32, #tpu.memory_space<hbm>>
      %dma_start3A_25 = arith.constant 0 : i32
      %dma_start3A_26 = tpu.memref_slice %arg3[%add3A, %dma_start3A_25] : memref<32x1024xf32, #tpu.memory_space<hbm>> -> memref<1x1024xf32, #tpu.memory_space<hbm>>
      %dma_start3A_27 = tpu.memref_squeeze %dma_start3A_26 : memref<1x1024xf32, #tpu.memory_space<hbm>> -> memref<1024xf32, #tpu.memory_space<hbm>>
      tpu.enqueue_dma source(%run_scoped3A : memref<1024xf32, #tpu.memory_space<vmem>>) target(%dma_start3A_27 : memref<1024xf32, #tpu.memory_space<hbm>>) target_semaphore(%run_scoped3A_2 : memref<!tpu.dma_semaphore, #tpu.memory_space<semaphore_mem>>)
      %dma_wait3A_28 = arith.constant 0 : i32
      %dma_wait3A_29 = tpu.memref_slice %arg3[%add3A, %dma_wait3A_28] : memref<32x1024xf32, #tpu.memory_space<hbm>> -> memref<1x1024xf32, #tpu.memory_space<hbm>>
      %dma_wait3A_30 = tpu.memref_squeeze %dma_wait3A_29 : memref<1x1024xf32, #tpu.memory_space<hbm>> -> memref<1024xf32, #tpu.memory_space<hbm>>
      %dma_wait3A_31 = arith.constant 0 : i32
      %dma_wait3A_32 = tpu.memref_slice %arg3[%add3A, %dma_wait3A_31] : memref<32x1024xf32, #tpu.memory_space<hbm>> -> memref<1x1024xf32, #tpu.memory_space<hbm>>
      %dma_wait3A_33 = tpu.memref_squeeze %dma_wait3A_32 : memref<1x1024xf32, #tpu.memory_space<hbm>> -> memref<1024xf32, #tpu.memory_space<hbm>>
      tpu.wait_dma2 semaphore(%run_scoped3A_2 : memref<!tpu.dma_semaphore, #tpu.memory_space<semaphore_mem>>) src(%run_scoped3A : memref<1024xf32, #tpu.memory_space<vmem>>) dst(%dma_wait3A_33 : memref<1024xf32, #tpu.memory_space<hbm>>)
      tpu.yield
    }) : () -> ()
    return
  }
}

module attributes {stable_mosaic.version = 14 : i64} {
  func.func @_vq_tc_kernel(%arg0: i32, %arg1: memref<2048x64xf32, #tpu.memory_space<vmem>>, %arg2: memref<1024x64xf32, #tpu.memory_space<vmem>>, %arg3: memref<2048x64xf32, #tpu.memory_space<vmem>>, %arg4: memref<2048x64xf32, #tpu.memory_space<vmem>>, %arg5: memref<1x1x2048xi32, #tpu.memory_space<vmem>>, %arg6: memref<1x1024xf32, #tpu.memory_space<vmem>>, %arg7: memref<1024x64xbf16, #tpu.memory_space<vmem>>) attributes {dimension_semantics = [#tpu.dimension_semantics<arbitrary>], iteration_bounds = array<i64: 16>, scalar_prefetch = 0 : i64, scratch_operands = 2 : i64, tpu.core_type = #tpu.core_type<tc>, window_params = [{transform_indices = @transform_0, window_bounds = array<i64: 2048, 64>}, {pipeline_mode = #tpu.pipeline_mode<synchronous>, transform_indices = @transform_1, window_bounds = array<i64: 1024, 64>}, {transform_indices = @transform_2, window_bounds = array<i64: 2048, 64>}, {transform_indices = @transform_3, window_bounds = array<i64: 2048, 64>}, {transform_indices = @transform_4, window_bounds = array<i64: 1, 1, 2048>}]} {
    %get3A = arith.constant 0 : index
    %get3A_0 = arith.constant 0 : index
    %get3A_1 = vector.load %arg1[%get3A, %get3A_0] : memref<2048x64xf32, #tpu.memory_space<vmem>>, vector<2048x64xf32>
    %get3A_2 = arith.constant 0 : index
    %get3A_3 = arith.constant 0 : index
    %get3A_4 = vector.load %arg3[%get3A_2, %get3A_3] : memref<2048x64xf32, #tpu.memory_space<vmem>>, vector<2048x64xf32>
    %eq3A = arith.constant 0 : i32
    %eq3A_5 = arith.cmpi eq, %arg0, %eq3A : i32
    %convert_element_type3A = arith.extui %eq3A_5 : i1 to i32
    %cond3A = arith.constant 0 : i32
    %cond3A_6 = arith.cmpi ne, %convert_element_type3A, %cond3A : i32
    scf.if %cond3A_6 {
      %get3A_45 = arith.constant 0 : index
      %get3A_46 = arith.constant 0 : index
      %get3A_47 = vector.load %arg2[%get3A_45, %get3A_46] : memref<1024x64xf32, #tpu.memory_space<vmem>>, vector<1024x64xf32>
      %broadcast_in_dim3A_48 = arith.constant 1.000000e+00 : f32
      %broadcast_in_dim3A_49 = vector.broadcast %broadcast_in_dim3A_48 : f32 to vector<1x64xf32>
      %mul3A_50 = arith.mulf %get3A_47, %get3A_47 : vector<1024x64xf32>
      %dot_general3A_51 = arith.constant dense<0.000000e+00> : vector<1x1024xf32>
      %dot_general3A_52 = tpu.matmul %broadcast_in_dim3A_49, %mul3A_50, %dot_general3A_51 {dimension_numbers = #tpu.dot_dimension_numbers<[1], [1], [0], [0], [0, 0, 1, 0], [], []>, transpose_lhs_hint = false} : vector<1x64xf32>, vector<1024x64xf32>, vector<1x1024xf32> -> vector<1x1024xf32>
      %swap3A_53 = arith.constant 0 : index
      %swap3A_54 = arith.constant 0 : index
      %swap3A_55 = vector.load %arg6[%swap3A_53, %swap3A_54] : memref<1x1024xf32, #tpu.memory_space<vmem>>, vector<1x1024xf32>
      tpu.vector_store %arg6[%swap3A_53, %swap3A_54], %dot_general3A_52 {strides = array<i32>} : memref<1x1024xf32, #tpu.memory_space<vmem>>, vector<1x1024xf32>,
      %mul3A_56 = arith.constant -2.000000e+00 : f32
      %mul3A_57 = vector.broadcast %mul3A_56 : f32 to vector<1024x64xf32>
      %mul3A_58 = arith.mulf %get3A_47, %mul3A_57 : vector<1024x64xf32>
      %convert_element_type3A_59 = arith.truncf %mul3A_58 : vector<1024x64xf32> to vector<1024x64xbf16>
      %swap3A_60 = arith.constant 0 : index
      %swap3A_61 = arith.constant 0 : index
      %swap3A_62 = vector.load %arg7[%swap3A_60, %swap3A_61] : memref<1024x64xbf16, #tpu.memory_space<vmem>>, vector<1024x64xbf16>
      tpu.vector_store %arg7[%swap3A_60, %swap3A_61], %convert_element_type3A_59 {strides = array<i32>} : memref<1024x64xbf16, #tpu.memory_space<vmem>>, vector<1024x64xbf16>,
    } else {
    }
    %convert_element_type3A_7 = arith.truncf %get3A_1 : vector<2048x64xf32> to vector<2048x64xbf16>
    %get3A_8 = arith.constant 0 : index
    %get3A_9 = arith.constant 0 : index
    %get3A_10 = vector.load %arg7[%get3A_8, %get3A_9] : memref<1024x64xbf16, #tpu.memory_space<vmem>>, vector<1024x64xbf16>
    %dot_general3A = arith.constant dense<0.000000e+00> : vector<2048x1024xf32>
    %dot_general3A_11 = tpu.matmul %convert_element_type3A_7, %get3A_10, %dot_general3A {dimension_numbers = #tpu.dot_dimension_numbers<[1], [1], [0], [0], [0, 0, 1, 0], [], []>, transpose_lhs_hint = false} : vector<2048x64xbf16>, vector<1024x64xbf16>, vector<2048x1024xf32> -> vector<2048x1024xf32>
    %get3A_12 = arith.constant 0 : index
    %get3A_13 = arith.constant 0 : index
    %get3A_14 = vector.load %arg6[%get3A_12, %get3A_13] : memref<1x1024xf32, #tpu.memory_space<vmem>>, vector<1x1024xf32>
    %add3A = vector.broadcast %get3A_14 : vector<1x1024xf32> to vector<2048x1024xf32>
    %add3A_15 = arith.addf %dot_general3A_11, %add3A : vector<2048x1024xf32>
    %reduce_min3A = arith.constant dense<0x7F800000> : vector<2048xf32>
    %reduce_min3A_16 = vector.multi_reduction <minimumf>, %add3A_15, %reduce_min3A [1] : vector<2048x1024xf32> to vector<2048xf32>
    %broadcast_in_dim3A = vector.shape_cast %reduce_min3A_16 : vector<2048xf32> to vector<2048x1xf32>
    %iota3A = tpu.iota {dimensions = array<i32: 1>} : vector<2048x1024xi32>
    %eq3A_17 = vector.broadcast %broadcast_in_dim3A : vector<2048x1xf32> to vector<2048x1024xf32>
    %eq3A_18 = arith.cmpf oeq, %add3A_15, %eq3A_17 : vector<2048x1024xf32>
    %jit3A = arith.constant 1024 : i32
    %broadcast_in_dim3A_19 = vector.broadcast %jit3A : i32 to vector<2048x1024xi32>
    %select_n3A = arith.select %eq3A_18, %iota3A, %broadcast_in_dim3A_19 : vector<2048x1024xi1>, vector<2048x1024xi32>
    %reduce_min3A_20 = arith.constant dense<2147483647> : vector<2048xi32>
    %reduce_min3A_21 = vector.multi_reduction <minsi>, %select_n3A, %reduce_min3A_20 [1] : vector<2048x1024xi32> to vector<2048xi32>
    %broadcast_in_dim3A_22 = vector.shape_cast %reduce_min3A_21 : vector<2048xi32> to vector<2048x1xi32>
    %reshape3A = vector.shape_cast %broadcast_in_dim3A_22 : vector<2048x1xi32> to vector<1x1x2048xi32>
    %swap3A = arith.constant 0 : index
    %swap3A_23 = arith.constant 0 : index
    %swap3A_24 = arith.constant 0 : index
    %swap3A_25 = vector.load %arg5[%swap3A, %swap3A_23, %swap3A_24] : memref<1x1x2048xi32, #tpu.memory_space<vmem>>, vector<1x1x2048xi32>
    tpu.vector_store %arg5[%swap3A, %swap3A_23, %swap3A_24], %reshape3A {strides = array<i32>} : memref<1x1x2048xi32, #tpu.memory_space<vmem>>, vector<1x1x2048xi32>,
    %mul3A = arith.mulf %get3A_1, %get3A_1 : vector<2048x64xf32>
    %reduce_sum3A = arith.constant dense<0.000000e+00> : vector<2048xf32>
    %reduce_sum3A_26 = vector.multi_reduction <add>, %mul3A, %reduce_sum3A [1] : vector<2048x64xf32> to vector<2048xf32>
    %broadcast_in_dim3A_27 = vector.shape_cast %reduce_sum3A_26 : vector<2048xf32> to vector<2048x1xf32>
    %mul3A_28 = arith.mulf %get3A_4, %get3A_4 : vector<2048x64xf32>
    %reduce_sum3A_29 = arith.constant dense<0.000000e+00> : vector<2048xf32>
    %reduce_sum3A_30 = vector.multi_reduction <add>, %mul3A_28, %reduce_sum3A_29 [1] : vector<2048x64xf32> to vector<2048xf32>
    %broadcast_in_dim3A_31 = vector.shape_cast %reduce_sum3A_30 : vector<2048xf32> to vector<2048x1xf32>
    %add3A_32 = arith.addf %broadcast_in_dim3A_27, %broadcast_in_dim3A : vector<2048x1xf32>
    %max3A = arith.constant 0.000000e+00 : f32
    %max3A_33 = vector.broadcast %max3A : f32 to vector<2048x1xf32>
    %max3A_34 = arith.maximumf %add3A_32, %max3A_33 : vector<2048x1xf32>
    %sqrt3A = math.sqrt %max3A_34 : vector<2048x1xf32>
    %max3A_35 = arith.constant 1.000000e-30 : f32
    %max3A_36 = vector.broadcast %max3A_35 : f32 to vector<2048x1xf32>
    %max3A_37 = arith.maximumf %broadcast_in_dim3A_31, %max3A_36 : vector<2048x1xf32>
    %rsqrt3A = math.rsqrt %max3A_37 : vector<2048x1xf32>
    %mul3A_38 = arith.mulf %sqrt3A, %rsqrt3A : vector<2048x1xf32>
    %mul3A_39 = vector.broadcast %mul3A_38 : vector<2048x1xf32> to vector<2048x64xf32>
    %mul3A_40 = arith.mulf %mul3A_39, %get3A_4 : vector<2048x64xf32>
    %add3A_41 = arith.addf %get3A_1, %mul3A_40 : vector<2048x64xf32>
    %swap3A_42 = arith.constant 0 : index
    %swap3A_43 = arith.constant 0 : index
    %swap3A_44 = vector.load %arg4[%swap3A_42, %swap3A_43] : memref<2048x64xf32, #tpu.memory_space<vmem>>, vector<2048x64xf32>
    tpu.vector_store %arg4[%swap3A_42, %swap3A_43], %add3A_41 {strides = array<i32>} : memref<2048x64xf32, #tpu.memory_space<vmem>>, vector<2048x64xf32>,
    return
  }
  func.func @transform_0(%arg0: i32) -> (i32, i32) {
    %c0_i32 = arith.constant 0 : i32
    %c0_i32_0 = arith.constant 0 : i32
    return %arg0, %c0_i32 : i32, i32
  }
  func.func @transform_1(%arg0: i32) -> (i32, i32) {
    %c0_i32 = arith.constant 0 : i32
    %c0_i32_0 = arith.constant 0 : i32
    %c0_i32_1 = arith.constant 0 : i32
    return %c0_i32, %c0_i32_0 : i32, i32
  }
  func.func @transform_2(%arg0: i32) -> (i32, i32) {
    %c0_i32 = arith.constant 0 : i32
    %c0_i32_0 = arith.constant 0 : i32
    return %arg0, %c0_i32 : i32, i32
  }
  func.func @transform_3(%arg0: i32) -> (i32, i32) {
    %c0_i32 = arith.constant 0 : i32
    %c0_i32_0 = arith.constant 0 : i32
    return %arg0, %c0_i32 : i32, i32
  }
  func.func @transform_4(%arg0: i32) -> (i32, i32, i32) {
    %c0_i32 = arith.constant 0 : i32
    %c0_i32_0 = arith.constant 0 : i32
    %c0_i32_1 = arith.constant 0 : i32
    return %arg0, %c0_i32, %c0_i32_0 : i32, i32, i32
  }
}

module attributes {stable_mosaic.version = 14 : i64} {
  func.func @_stats_tc_kernel(%arg0: memref<32x1024xf32, #tpu.memory_space<vmem>>, %arg1: memref<1x128xf32, #tpu.memory_space<vmem>>) attributes {dimension_semantics = [], scalar_prefetch = 0 : i64, scratch_operands = 0 : i64, tpu.core_type = #tpu.core_type<tc>} {
    %get3A = arith.constant 0 : index
    %get3A_0 = arith.constant 0 : index
    %get3A_1 = vector.load %arg0[%get3A, %get3A_0] : memref<32x1024xf32, #tpu.memory_space<vmem>>, vector<32x1024xf32>
    %reduce_sum3A = arith.constant dense<0.000000e+00> : vector<1024xf32>
    %reduce_sum3A_2 = vector.multi_reduction <add>, %get3A_1, %reduce_sum3A [0] : vector<32x1024xf32> to vector<1024xf32>
    %broadcast_in_dim3A = vector.shape_cast %reduce_sum3A_2 : vector<1024xf32> to vector<1x1024xf32>
    %mul3A = arith.constant 3.05175781E-5 : f32
    %mul3A_3 = vector.broadcast %mul3A : f32 to vector<1x1024xf32>
    %mul3A_4 = arith.mulf %broadcast_in_dim3A, %mul3A_3 : vector<1x1024xf32>
    %add3A = arith.constant 9.99999993E-9 : f32
    %add3A_5 = vector.broadcast %add3A : f32 to vector<1x1024xf32>
    %add3A_6 = arith.addf %mul3A_4, %add3A_5 : vector<1x1024xf32>
    %log3A = math.log %add3A_6 : vector<1x1024xf32>
    %mul3A_7 = arith.mulf %mul3A_4, %log3A : vector<1x1024xf32>
    %reduce_sum3A_8 = vector.shape_cast %mul3A_7 : vector<1x1024xf32> to vector<1x1x1024xf32>
    %reduce_sum3A_9 = arith.constant dense<0.000000e+00> : vector<1xf32>
    %reduce_sum3A_10 = vector.multi_reduction <add>, %reduce_sum3A_8, %reduce_sum3A_9 [1, 2] : vector<1x1x1024xf32> to vector<1xf32>
    %reduce_sum3A_11 = vector.shape_cast %reduce_sum3A_10 : vector<1xf32> to vector<1x1x1xf32>
    %reduce_sum3A_12 = vector.extract %reduce_sum3A_11[0, 0, 0] : f32 from vector<1x1x1xf32>
    %neg3A = arith.constant 0.000000e+00 : f32
    %neg3A_13 = arith.subf %neg3A, %reduce_sum3A_12 : f32
    %exp3A = math.exp %neg3A_13 : f32
    %gt3A = arith.constant 0.000000e+00 : f32
    %gt3A_14 = vector.broadcast %gt3A : f32 to vector<1x1024xf32>
    %gt3A_15 = arith.cmpf ogt, %broadcast_in_dim3A, %gt3A_14 : vector<1x1024xf32>
    %convert_element_type3A = arith.extui %gt3A_15 : vector<1x1024xi1> to vector<1x1024xi32>
    %convert_element_type3A_16 = arith.sitofp %convert_element_type3A : vector<1x1024xi32> to vector<1x1024xf32>
    %reduce_sum3A_17 = vector.shape_cast %convert_element_type3A_16 : vector<1x1024xf32> to vector<1x1x1024xf32>
    %reduce_sum3A_18 = arith.constant dense<0.000000e+00> : vector<1xf32>
    %reduce_sum3A_19 = vector.multi_reduction <add>, %reduce_sum3A_17, %reduce_sum3A_18 [1, 2] : vector<1x1x1024xf32> to vector<1xf32>
    %reduce_sum3A_20 = vector.shape_cast %reduce_sum3A_19 : vector<1xf32> to vector<1x1x1xf32>
    %reduce_sum3A_21 = vector.extract %reduce_sum3A_20[0, 0, 0] : f32 from vector<1x1x1xf32>
    %iota3A = tpu.iota {dimensions = array<i32: 1>} : vector<1x128xi32>
    %eq3A = arith.constant 0 : i32
    %eq3A_22 = vector.broadcast %eq3A : i32 to vector<1x128xi32>
    %eq3A_23 = arith.cmpi eq, %iota3A, %eq3A_22 : vector<1x128xi32>
    %eq3A_24 = arith.constant 1 : i32
    %eq3A_25 = vector.broadcast %eq3A_24 : i32 to vector<1x128xi32>
    %eq3A_26 = arith.cmpi eq, %iota3A, %eq3A_25 : vector<1x128xi32>
    %jit3A = arith.constant 0.000000e+00 : f32
    %broadcast_in_dim3A_27 = vector.broadcast %reduce_sum3A_21 : f32 to vector<1x128xf32>
    %broadcast_in_dim3A_28 = vector.broadcast %jit3A : f32 to vector<1x128xf32>
    %select_n3A = arith.select %eq3A_26, %broadcast_in_dim3A_27, %broadcast_in_dim3A_28 : vector<1x128xi1>, vector<1x128xf32>
    %broadcast_in_dim3A_29 = vector.broadcast %exp3A : f32 to vector<1x128xf32>
    %select_n3A_30 = arith.select %eq3A_23, %broadcast_in_dim3A_29, %select_n3A : vector<1x128xi1>, vector<1x128xf32>
    %swap3A = arith.constant 0 : index
    %swap3A_31 = arith.constant 0 : index
    %swap3A_32 = vector.load %arg1[%swap3A, %swap3A_31] : memref<1x128xf32, #tpu.memory_space<vmem>>, vector<1x128xf32>
    tpu.vector_store %arg1[%swap3A, %swap3A_31], %select_n3A_30 {strides = array<i32>} : memref<1x128xf32, #tpu.memory_space<vmem>>, vector<1x128xf32>,
    return
  }
}

</mosaic_0001>

<sc_bundles>
// kernel: kernel.5.cloned.1.call-start
scs
__scs_entry_jumppad:
0x0: {  	(pc) =	sbr.rel $0x88, $3  }
0x1: {  	(tag) =	ssettag $0x0;
	lr =	simm.s32 $0x1  }
0x2: {  	[smem:$0x3F9E] =	sst lr;
	_ =	strace $0xD0000000  }
0x3: {  	_ = 	snop  }
0x4: {  	_ = 	snop  }
0x5: {  	_ = 	snop  }
0x6: {  	_ = 	snop  }
0x7: {  	_ = 	snop  }
__scs_overlays_trampoline_lowered:
0x8: {  	[smem:$0x3FAD] =	sst s0  }
0x9: {  	[smem:$0x3FAE] =	sst s1  }
0xa: {  	[smem:$0x3FAF] =	sst s2  }
0xb: {  	[smem:$0x3FB0] =	sst s3  }
0xc: {  	[smem:$0x3FB1] =	sst s4  }
0xd: {  	[smem:$0x3FB2] =	sst s5  }
0xe: {  	[smem:$0x3FB3] =	sst s6  }
0xf: {  	[smem:$0x3FB4] =	sst s7  }
0x10: {  	[smem:$0x3FB5] =	sst s8  }
0x11: {  	[smem:$0x3FB6] =	sst s9;
	s0 =	simm.s32 @!p0 $0x0  }
0x12: {  	s1 =	sld [smem:$0x3F9C];
	s0 =	simm.s32 @p0 $0x1  }
0x13: {  	[smem:$0x3FB7] =	sst s0;
	s0 =	simm.s32 @!p1 $0x0  }
0x14: {  	s2 =	sld [smem:$0x3F9B];
	s0 =	simm.s32 @p1 $0x1  }
0x15: {  	[smem:$0x3FB8] =	sst s0;
	s0 =	simm.s32 @!p2 $0x0  }
0x16: {  	s3 =	sld [smem:$0x3FDB];
	s0 =	simm.s32 @p2 $0x1  }
0x17: {  	s4 =	simm.s32 $0x1BF5;
	[smem:$0x3FBA] =	sst s0  }
0x18: {  	s0 =	sld [smem:$0x3F9D];
	_ =	swait.ge [sflag:s4], $0x0  }
0x19: {  	s7 =	sld [smem:$0x3F9E]  }
0x1a: {  	s8 =	sadd.s32 $0xFFFFE003, lr  }
0x1b: {  	s9 =	sadd.s32 $0xFFFFFEF7, lr;
	s5 =	simm.s32 $0xFFFFFFFF;
	p2 =	slt.u32 s8, $0xFFFFF086  }
0x1c: {  	p1 =	slt.u32 s9, $0xF7A;
	s5 =	simm.s32 @!p2 $0x0  }
0x1d: {  	s5 =	simm.s32 @p1 $0x1;
	p0 =	seq.s32 s7, s2  }
0x1e: {  	s7 =	smul.u32 @!p0 $0xF7A, s2;
	p2 =	seq.s32 @!p0 s5, $0x0  }
0x1f: {  	s9 =	smul.u32 $0xF7A, s1;
	s8 =	simm.s32 @!p0 $0x1BF5;
	p2 =	por !p2, p0  }
0x20: {  	[sflag:s8] =	ssyncset.s32 @!p0 $0xFFFFF086;
	s6 =	sadd.s32 @!p0 s3, s7;
	s7 =	simm.s32 @!p0 $0x108  }
0x21: {  	s3 =	sadd.s32 s3, s9;
	s6 =	sadd.s32 @!p0 $0x88, s6;
	s7 =	simm.s32 @p2 $0x1082  }
0x22: {  	[simem:s7], [sflag:s8] =	dma.local @!p0 [hbm:s6], $0xF7A  }
0x23: {  	s9 =	sor.u32 $0xD0000000, s2;
	s6 =	simm.s32 $0x108;
	_ =	swait.ge @!p0 [sflag:s8], $0x0  }
0x24: {  	s3 =	sadd.s32 $0x88, s3;
	s6 =	simm.s32 @!p1 $0x1082;
	[sflag:s4] =	ssyncset.s32 $0xFFFFF086  }
0x25: {  	[simem:s6], [sflag:s4] =	dma.local [hbm:s3], $0xF7A  }
0x26: {  	[smem:$0x3F9E] =	sst s1;
	(tag) =	ssettag s2;
	_ =	strace s9  }
0x27: {  	s1 =	sld [smem:$0x3FAE]  }
0x28: {  	s2 =	sld [smem:$0x3FAF]  }
0x29: {  	s4 =	sld [smem:$0x3FB1]  }
0x2a: {  	p0 =	seq.s32 s5, $0x0;
	s5 =	sld [smem:$0x3FB2]  }
0x2b: {  	s6 =	sld [smem:$0x3FB3]  }
0x2c: {  	s7 =	sld [smem:$0x3FB4]  }
0x2d: {  	s3 =	simm.s32 $0x108;
	s8 =	sld [smem:$0x3FB5]  }
0x2e: {  	s3 =	simm.s32 @!p0 $0x1082;
	s9 =	sld [smem:$0x3FB6]  }
0x2f: {  	lr =	sadd.s32 s0, s3;
	s0 =	sld [smem:$0x3FAD]  }
0x30: {  	s3 =	sld [smem:$0x3FB0]  }
0x31: {  	[smem:$0x3FB9] =	sst s10  }
0x32: {  	s10 =	sld [smem:$0x3FB7];
	_ =	sdelay $0x3  }
0x33: {  	p0 =	seq.s32 s10, $0x1;
	s10 =	sld [smem:$0x3FB9];
	_ =	sdelay $0x3  }
0x34: {  	[smem:$0x3FB9] =	sst s10  }
0x35: {  	s10 =	sld [smem:$0x3FB8];
	_ =	sdelay $0x3  }
0x36: {  	p1 =	seq.s32 s10, $0x1;
	s10 =	sld [smem:$0x3FB9];
	_ =	sdelay $0x3  }
0x37: {  	[smem:$0x3FB9] =	sst s10  }
0x38: {  	s10 =	sld [smem:$0x3FBA]  }
0x39: {  	_ = 	snop;
	(pc) =	sbr.ind lr, $3  }
0x3a: {  	_ = 	snop  }
0x3b: {  	_ = 	snop  }
0x3c: {  	p2 =	seq.s32 s10, $0x1;
	s10 =	sld [smem:$0x3FB9]  }
0x3d: {  	_ =	shalt  }
0x3e: {  	_ =	shalt  }
0x3f: {  	_ =	shalt  }
0x40: {  	_ =	shalt  }
0x41: {  	_ =	shalt  }
0x42: {  	_ =	shalt  }
0x43: {  	_ =	shalt  }
0x44: {  	_ =	shalt  }
0x45: {  	_ =	shalt  }
0x46: {  	_ =	shalt  }
0x47: {  	_ =	shalt  }
0x48: {  	_ =	shalt  }
0x49: {  	_ =	shalt  }
0x4a: {  	_ =	shalt  }
0x4b: {  	_ =	shalt  }
0x4c: {  	_ =	shalt  }
0x4d: {  	_ =	shalt  }
0x4e: {  	_ =	shalt  }
0x4f: {  	_ =	shalt  }
0x50: {  	_ =	shalt  }
0x51: {  	_ =	shalt  }
0x52: {  	_ =	shalt  }
0x53: {  	_ =	shalt  }
0x54: {  	_ =	shalt  }
0x55: {  	_ =	shalt  }
0x56: {  	_ =	shalt  }
0x57: {  	_ =	shalt  }
0x58: {  	_ =	shalt  }
0x59: {  	_ =	shalt  }
0x5a: {  	_ =	shalt  }
0x5b: {  	_ =	shalt  }
0x5c: {  	_ =	shalt  }
0x5d: {  	_ =	shalt  }
0x5e: {  	_ =	shalt  }
0x5f: {  	_ =	shalt  }
0x60: {  	_ =	shalt  }
0x61: {  	_ =	shalt  }
0x62: {  	_ =	shalt  }
0x63: {  	_ =	shalt  }
0x64: {  	_ =	shalt  }
0x65: {  	_ =	shalt  }
0x66: {  	_ =	shalt  }
0x67: {  	_ =	shalt  }
0x68: {  	_ =	shalt  }
0x69: {  	_ =	shalt  }
0x6a: {  	_ =	shalt  }
0x6b: {  	_ =	shalt  }
0x6c: {  	_ =	shalt  }
0x6d: {  	_ =	shalt  }
0x6e: {  	_ =	shalt  }
0x6f: {  	_ =	shalt  }
0x70: {  	_ =	shalt  }
0x71: {  	_ =	shalt  }
0x72: {  	_ =	shalt  }
0x73: {  	_ =	shalt  }
0x74: {  	_ =	shalt  }
0x75: {  	_ =	shalt  }
0x76: {  	_ =	shalt  }
0x77: {  	_ =	shalt  }
0x78: {  	_ =	shalt  }
0x79: {  	_ =	shalt  }
0x7a: {  	_ =	shalt  }
0x7b: {  	_ =	shalt  }
0x7c: {  	_ =	shalt  }
0x7d: {  	_ =	shalt  }
0x7e: {  	_ =	shalt  }
0x7f: {  	_ =	shalt  }
0x80: {  	_ =	shalt  }
0x81: {  	_ =	shalt  }
0x82: {  	_ =	shalt  }
0x83: {  	_ =	shalt  }
0x84: {  	_ =	shalt  }
0x85: {  	_ =	shalt  }
0x86: {  	_ =	shalt  }
0x87: {  	_ =	shalt  }
.Lfunc_end0:
.L_simem_size_0:
called_computation_lowered:
.L_overlay_start_0:
0x88: {  	s2 =	sld [smem:$0x3FD9]  }
0x89: {  	s3 =	sld [smem:$0x3FFE];
	_ =	sdelay $0x1  }
0x8a: {  	s1 =	srdreg.scid  }
0x8b: {  	s0 =	sand.u32 $0x1, s1  }
0x8c: {  	s16 =	sshll.u32 s0, $0xA;
	s2 =	sadd.s32 s3, s2  }
0x8d: {  	s2 =	sadd.s32 s2, s16  }
0x8e: {  	[smem:$0x3FC5] =	sst s2  }
0x8f: {  	_ = 	snop  }
0x90: {  	(tm) =	ssettm $0x1  }
0x91: {  	s17 =	sld [smem:$0x3FFB];
	_ =	sdelay $0x3  }
0x92: {  	_ =	strace s17  }
0x93: {  	s2 =	sld [smem:$0x3FFC];
	_ =	sdelay $0x3  }
0x94: {  	_ =	strace s2  }
0x95: {  	s2 =	sld [smem:$0x3FFD];
	_ =	sdelay $0x3  }
0x96: {  	_ =	strace s2  }
0x97: {  	_ =	strace $0x8FFFFFFF  }
0x98: {  	s18 =	sld [smem:$0x3FDB];
	_ =	sdelay $0x1  }
0x99: {  	s19 =	simm.s32 $_scs_section_size  }
0x9a: {  	s4 =	simm.s32 $_size__tile_overlayer_lowered;
	s5 =	simm.s32 $_tile_overlayer_lowered  }
0x9b: {  	s22 =	simm.s32 $0x1BFF;
	s21 =	sshll.u32 s5, $0x1;
	s2 =	sadd.s32 s19, s18  }
0x9c: {  	s6 =	simm.s32 $0x0;
	s20 =	sshll.u32 s4, $0x1;
	s4 =	sadd.s32 s21, s2  }
0x9d: {  	[timem:s6], [sflag:s22] =	dma.local [hbm:s4], s20  }
0x9e: {  	_ =	swait.ge [sflag:s22], s20  }
0x9f: {  	s3 =	ssub.s32 $0x0, s20;
	[sflag:s22] =	ssyncset.done $0x0  }
0xa0: {  	[sflag:s22] =	ssyncadd.s32 s3;
	_ =	sdelay $0x1  }
0xa1: {  	s23 =	simm.s32 $0x1B8B  }
0xa2: {  	_ =	swait.ge [sflag:s23], $0x1  }
0xa3: {  	[sflag:s23] =	ssyncset.done $0x0  }
0xa4: {  	s25 =	simm.s32 $0x1B8E;
	s24 =	sld [smem:$0x3FFE];
	[sflag:s23] =	ssyncadd.s32 $0xFFFFFFFF  }
0xa5: {  	s26 =	simm.s32 $execute0_lowered;
	[smem:$0x3FD2] =	sst s25  }
0xa6: {  	s4 =	sshll.u32 s26, $0x1;
	_ =	strace $0x80000046;
	[dreg:$0x1] =	wrdreg $0xFFFFFFFF  }
0xa7: {  	s28 =	simm.s32 $_size_execute0_lowered;
	s2 =	sadd.s32 s2, s4;
	[dreg:$0x0] =	wrdreg $0x0  }
0xa8: {  	s4 =	sshll.u32 s28, $0x1;
	[dreg:$0x2] =	wrdreg s2  }
0xa9: {  	[dreg:$0x3] =	wrdreg s4  }
0xaa: {  	[dreg:$0x4] =	wrdreg $0xC0  }
0xab: {  	_ =	task [dreg:s6], $0x5FFFF  }
0xac: {  	[dreg:$0x1] =	wrdreg $0xFFFFFFFF  }
0xad: {  	[dreg:$0x0] =	wrdreg $0x60  }
0xae: {  	[dreg:$0x2] =	wrdreg s24  }
0xaf: {  	[dreg:$0x3] =	wrdreg $0x9  }
0xb0: {  	_ =	task.clear_ibuf [dreg:s6], $0x4FFFF;
	_ =	strace $0x90000046  }
0xb1: {  	s29 =	simm.s32 $0x9;
	_ =	strace $0x80000048  }
0xb2: {  	_ =	swait.ge [sflag:s29], $0x1  }
0xb3: {  	[sflag:s29] =	ssyncadd.s32 $0xFFFFFFFF  }
0xb4: {  	_ =	strace $0x90000048  }
0xb5: {  	_ =	sfence  }
0xb6: {  	s30 =	sld [smem:$0x0];
	_ =	sdelay $0x2  }
0xb7: {  	s31 =	sshll.u32 s1, $0xD;
	s1 =	sshrl.u32 s1, $0x2  }
0xb8: {  	s3 =	sand.u32 $0x4000, s31;
	s1 =	sadd.s32 s1, s30  }
0xb9: {  	s0 =	sor.u32 s3, s0;
	s1 =	sshll.u32 s1, $0x11  }
0xba: {  	s0 =	sor.u32 s1, s0  }
0xbb: {  	s0 =	sadd.s32 $0x8F2B, s0  }
0xbc: {  	[sflag:s0] =	ssyncadd.remote.s32 $0x1  }
0xbd: {  	_ =	sfence.sel $0xFFFF  }
0xbe: {  	[dreg:$0x0] =	wrdreg $0xFFFFFFFF;
	(pc) =	sbr.abs _section_cstart, $3  }
0xbf: {  	[dreg:$0x1] =	wrdreg $0xFFFFFFFF  }
0xc0: {  	_ =	task.clear_ibuf [dreg:s6], $0x2FFFF;
	_ =	strace $0x9FFFFFFF  }
0xc1: {  	(tm) =	ssettm $0x7FFFFFFF  }
tec
execute0_lowered:
.L_overlay_start_1:
0x0: {  	(tag) =	ssettag $0x1  }
0x1: {  	s3 =	rddreg [dreg:$0x0]  }
0x2: {  	s0 =	rddreg [dreg:$0x1];
	s2 =	simm.s32 $0x0;
	s4 =	srdreg.scid  }
0x3: {  	s1 =	stileid.u32;
	s8 =	simm.s32 $0x80;
	s9 =	simm.s32 $0x1  }
0x4: {  	s10 =	simm.s32 $0x0;
	[smem:$0x7FF] =	sst s2;
	s4 =	sand.u32 $0x1, s4  }
0x5: {  	s6 =	sshll.u32 s1, $0x7;
	s7 =	sshll.u32 s1, $0x4;
	s5 =	sshll.u32 s4, $0xB  }
0x6: {  	_ =	strace $0x80000047;
	s29 =	sand.u32 $0x70, s7;
	s4 =	ssub.s32 $0x2, s4  }
0x7: {  	s7 =	simm.s32 $0x2;
	s5 =	sor.u32 s6, s5;
	s6 =	sadd.s32 s29, s3  }
0x8: {  	s31 =	sshrl.u32 s4, $0x1;
	s30 =	sand.u32 $0xC00, s5;
	s3 =	sadd.s32 s5, s3  }
0x9: {  	s5 =	ssub.s32 s4, s31;
	s6 =	sadd.s32 s30, s6;
	s3 =	sadd.s32 $0x1400, s3  }
0xa: {  	v0 =	vimm.f32 $0.0e+00;
	v1 =	vimm.f32 $1.000000000e+00;
	s5 =	smax.u32 s5, $0x1;
	s4 =	sadd.s32 $0x2400, s6;
	s6 =	simm.s32 $0x400  }
.LBB2_1:
0xb: {  	[tilespmem:s6], [sflag:$0x2] =	stream.linear.gather [hbm4b:s3+s2], $0x400, $0x38;
	[tilespmem:$0x800] =	vst v63  }
0xc: {  	_ =	swait.ge [sflag:s7], $0x400  }
0xd: {  	[sflag:s7] =	ssyncset.done $0x0  }
0xe: {  	s11 =	simm.s32 $0x0;
	[sflag:s7] =	ssyncadd.s32 $0xFFFFFC00  }
.LBB2_2:
0xf: {  	p0 =	sne.s32 s11, $0xFC0  }
.Ltmp0:
0x10: {  	_ = 	snop;
	(pc) =	sbr.rel @p0 .LBB2_2-.Ltmp0, $3  }
0x11: {  	_ =	sdelay $0x1  }
0x12: {  	s12 =	sshra.s32 s11, $0x2  }
0x13: {  	s11 =	sadd.s32 $0x40, s11;
	[tilespmem:s12+$0x0] =	vst v0  }
0x14: {  	s12 =	simm.s32 $0x0;
	s11 =	simm.s32 $0x40  }
.LBB2_4:
0x15: {  	p0 =	sne.s32 s11, $0xFC0;
	v2 =	vld [tilespmem:s12+$0x400];
	_ =	sdelay $0x3  }
.Ltmp1:
0x16: {  	(pc) =	sbr.rel @p0 .LBB2_4-.Ltmp1, $2  }
0x17: {  	_ =	sdelay $0x2  }
0x18: {  	s12 =	sshra.s32 s11, $0x2;
	s11 =	sadd.s32 $0x40, s11;
	[tilespmem:v2+s2+$0x0] =	vst.idx.add.f32.msk $0xffff, v1  }
0x19: {  	v2 =	vld [tilespmem:s12+$0x400];
	_ =	sdelay $0x5  }
0x1a: {  	s10 =	sadd.s32 $0x1, s10  }
0x1b: {  	p0 =	sne.s32 s10, s5  }
.Ltmp2:
0x1c: {  	[tilespmem:v2+s2+$0x0] =	vst.idx.add.f32.msk $0xffff, v1;
	(pc) =	sbr.rel @p0 .LBB2_1-.Ltmp2, $4  }
0x1d: {  	[hbm4b:s4+s8] =	stream.strided.scatter [tilespmem:s2], [sflag:$0x1], $0x400, s6, s8, $0x38;
	[tilespmem:$0x800] =	vst v63  }
0x1e: {  	_ =	swait.ge [sflag:s9], $0x400  }
0x1f: {  	[sflag:s9] =	ssyncset.done $0x0  }
0x20: {  	[sflag:s9] =	ssyncadd.s32 $0xFFFFFC00  }
0x21: {  	_ =	sfence.sel $0x180000  }
0x22: {  	[bflag:$0x0] =	sbarrier.arrive $0xFFFF  }
0x23: {  	p0 =	sne.s32 s1, $0x0;
	_ =	strace $0x90000047  }
0x24: {  	s0 =	sadd.s32 @!p0 $0x100000, s0;
	[bflag:$0x2] =	sbarrier.arrive $0xFFFF  }
0x25: {  	[sflag:s0] =	ssyncadd.tile.s32 @!p0 $0x1;
	_ =	shalt  }
.Lfunc_end2:
_tile_overlayer_lowered:
.L_overlay_start_2:
0x26: {  	(tag) =	ssettag $0x2  }
0x27: {  	s0 =	rddreg [dreg:$0x0];
	s2 =	stileid.u32  }
0x28: {  	s1 =	rddreg [dreg:$0x1];
	p0 =	sne.s32 s2, $0x0  }
0x29: {  	s3 =	rddreg [dreg:$0x2];
	[bflag:$0x3] =	sbarrier.arrive $0xFFFF;
	s2 =	simm.s32 @!p0 $0x1C01  }
0x2a: {  	[timem:s3], [sflag:s2] =	dma.local @!p0 [hbm:s0], s1  }
0x2b: {  	s0 =	simm.s32 @!p0 $0x1  }
0x2c: {  	_ =	swait.ge @!p0 [sflag:s0], s1  }
0x2d: {  	s1 =	ssub.s32 @!p0 $0x0, s1;
	[sflag:s0] =	ssyncset.done @!p0 $0x0  }
0x2e: {  	[sflag:s0] =	ssyncadd.s32 @!p0 s1  }
0x2f: {  	[bflag:$0x3] =	sbarrier.arrive $0xFFFF  }
0x30: {  	_ =	shalt  }

</sc_bundles>
